<compile_context>
chip_gen: v7x
topology: tpu7x:2x2x1
jax: 0.10.2.dev20260603
libtpu: 0.0.44.dev20260713+nightly
codegen_flags: <defaults>
</compile_context>

<pallas_src>
import functools

import jax
import jax.numpy as jnp
from jax import lax
from jax.experimental import pallas as pl
from jax.experimental.pallas import tpu as pltpu
from jax.experimental.pallas import tpu_sc as plsc

_VOCAB = 1000000
_EMBED = 64
_BATCH = 4096
_HIST = 200

_LANES = 16
_NTILES = 32
_RPT = _BATCH // _NTILES

_CHUNK = 8000
_NCHUNK = _VOCAB // _CHUNK


def _red_body(tbw_ref, out_ref):
    s = jnp.sum(tbw_ref[...], axis=1)
    out_ref[...] = s.reshape(8, 1000)


def _project_fused(table, W):
    tbw = table * W
    out = pl.pallas_call(
        _red_body,
        grid=(_NCHUNK,),
        in_specs=[pl.BlockSpec((_CHUNK, _EMBED), lambda i: (i, 0))],
        out_specs=pl.BlockSpec((8, 1000), lambda i: (i, 0)),
        out_shape=jax.ShapeDtypeStruct((_VOCAB // 1000, 1000), jnp.float32),
        compiler_params=pltpu.CompilerParams(allow_input_fusion=[True]),
    )(tbw)
    return out.reshape(_VOCAB)


_mesh = plsc.VectorSubcoreMesh(core_axis_name="c", subcore_axis_name="s")

_IPT = _RPT * _HIST


@functools.partial(
    pl.kernel,
    mesh=_mesh,
    out_type=jax.ShapeDtypeStruct((_BATCH,), jnp.float32),
    scratch_types=[
        pltpu.VMEM((_IPT,), jnp.int32),
        pltpu.VMEM((_IPT,), jnp.float32),
        pltpu.VMEM((_LANES,), jnp.float32),
        pltpu.VMEM((_RPT,), jnp.float32),
        pltpu.SemaphoreType.DMA,
    ],
)
def _sc_pool(xtf_hbm, t_hbm, b_hbm, y_hbm, idx_v, vals_v, b_v, out_v, sem):
    c = lax.axis_index("c")
    s = lax.axis_index("s")
    wid = s * 2 + c
    base = wid * _RPT
    pltpu.sync_copy(xtf_hbm.at[wid], idx_v)
    pltpu.sync_copy(b_hbm, b_v)
    pltpu.async_copy(t_hbm.at[idx_v], vals_v, sem).wait()
    bvec = b_v[...]
    inv = jnp.float32(1.0 / _HIST)
    for g in range(_RPT // _LANES):
        def body(j, acc, _g=g):
            return acc + vals_v[pl.ds(j * _RPT + _g * _LANES, _LANES)]

        acc = lax.fori_loop(0, _HIST, body, jnp.zeros((_LANES,), jnp.float32))
        out_v[pl.ds(g * _LANES, _LANES)] = acc * inv + bvec
    pltpu.sync_copy(out_v, y_hbm.at[pl.ds(base, _RPT)])


def kernel(x, table, W, b):
    t = _project_fused(table, W)
    xtf = x.reshape(_NTILES, _RPT, _HIST).transpose(0, 2, 1).reshape(_NTILES, _IPT)
    b16 = jnp.broadcast_to(b.astype(jnp.float32), (_LANES,))
    y_flat = _sc_pool(xtf, t, b16)
    return y_flat.reshape(_BATCH, 1)

# --- scband reference (transcript-rebuilt; emitter-appended) ---
"""Pipeline reference for scband-logistic-regression-6287832121379 (READ-ONLY COPY).

The authoritative reference and input builder live on the scoring server;
editing this copy changes nothing except your own understanding.
"""

import jax, jax.numpy as jnp
import numpy as np

VOCAB = 1000000
EMBED_DIM = 64
BATCH = 4096
HIST_LEN = 200


def setup_inputs(seed: int = 0) -> dict:
    key = jax.random.key(seed)
    k1, k2, k3, k4 = jax.random.split(key, 4)
    x = jax.random.randint(k1, (BATCH, HIST_LEN), 0, VOCAB, dtype=jnp.int32)
    table = jax.random.normal(k2, (VOCAB, EMBED_DIM), dtype=jnp.float32)
    W = jax.random.normal(k3, (1, EMBED_DIM), dtype=jnp.float32) * (1.0 / np.sqrt(EMBED_DIM))
    b = jnp.zeros((1,), dtype=jnp.float32)
    return {"x": x, "table": table, "W": W, "b": b}


def reference(x, table, W, b):
    # embedding lookup: [B, L] -> [B, L, D]
    emb = jnp.take(table, x, axis=0)
    # mean over sequence dim: [B, D]
    pooled = jnp.mean(emb, axis=1)
    # linear: [B, 1]
    y = pooled @ W.T + b
    return y

if __name__ == "__main__":
    import jax
    _d = setup_inputs()
    print(jax.jit(kernel)(*tuple(_d.values())))

</pallas_src>

<mosaic_0001>
#map = affine_map<(d0, d1) -> (0, 0)>
#map1 = affine_map<(d0, d1) -> (0)>
module attributes {stable_mosaic.version = 14 : i64} {
  func.func @_sc_pool(%arg0: i32, %arg1: i32, %arg2: memref<32x25600xi32, #tpu.memory_space<hbm>>, %arg3: memref<1000000xf32, #tpu.memory_space<hbm>>, %arg4: memref<16xf32, #tpu.memory_space<hbm>>, %arg5: memref<4096xf32, #tpu.memory_space<hbm>>, %arg6: memref<25600xi32, #tpu.memory_space<vmem>>, %arg7: memref<25600xf32, #tpu.memory_space<vmem>>, %arg8: memref<16xf32, #tpu.memory_space<vmem>>, %arg9: memref<128xf32, #tpu.memory_space<vmem>>, %arg10: memref<!tpu.dma_semaphore, #tpu.memory_space<semaphore_mem>>) attributes {dimension_semantics = [#tpu.dimension_semantics<core_parallel>, #tpu.dimension_semantics<subcore_parallel>], iteration_bounds = array<i64: 2, 16>, scalar_prefetch = 0 : i64, scratch_operands = 5 : i64, tpu.core_type = #tpu.core_type<sc_vector_subcore>, window_params = [{transform_indices = #map}, {transform_indices = #map1}, {transform_indices = #map1}, {transform_indices = #map1}]} {
    %mul3A = arith.constant 2 : i32
    %mul3A_0 = arith.muli %arg1, %mul3A : i32
    %add3A = arith.addi %mul3A_0, %arg0 : i32
    %mul3A_1 = arith.constant 128 : i32
    %mul3A_2 = arith.muli %add3A, %mul3A_1 : i32
    "tpu.region"() ({
      %run_scoped3A = tpu.sem_alloc : memref<!tpu.dma_semaphore, #tpu.memory_space<semaphore_mem>>
      %dma_start3A_132 = arith.constant 0 : i32
      %dma_start3A_133 = tpu.memref_slice %arg2[%add3A, %dma_start3A_132] : memref<32x25600xi32, #tpu.memory_space<hbm>> -> memref<1x25600xi32, #tpu.memory_space<hbm>>
      %dma_start3A_134 = tpu.memref_squeeze %dma_start3A_133 : memref<1x25600xi32, #tpu.memory_space<hbm>> -> memref<25600xi32, #tpu.memory_space<hbm>>
      %dma_start3A_135 = arith.constant 0 : i32
      %dma_start3A_136 = tpu.memref_slice %arg2[%add3A, %dma_start3A_135] : memref<32x25600xi32, #tpu.memory_space<hbm>> -> memref<1x25600xi32, #tpu.memory_space<hbm>>
      %dma_start3A_137 = tpu.memref_squeeze %dma_start3A_136 : memref<1x25600xi32, #tpu.memory_space<hbm>> -> memref<25600xi32, #tpu.memory_space<hbm>>
      tpu.enqueue_dma source(%dma_start3A_137 : memref<25600xi32, #tpu.memory_space<hbm>>) target(%arg6 : memref<25600xi32, #tpu.memory_space<vmem>>) target_semaphore(%run_scoped3A : memref<!tpu.dma_semaphore, #tpu.memory_space<semaphore_mem>>)
      %dma_wait3A_138 = arith.constant 0 : i32
      %dma_wait3A_139 = tpu.memref_slice %arg2[%add3A, %dma_wait3A_138] : memref<32x25600xi32, #tpu.memory_space<hbm>> -> memref<1x25600xi32, #tpu.memory_space<hbm>>
      %dma_wait3A_140 = tpu.memref_squeeze %dma_wait3A_139 : memref<1x25600xi32, #tpu.memory_space<hbm>> -> memref<25600xi32, #tpu.memory_space<hbm>>
      %dma_wait3A_141 = arith.constant 0 : i32
      %dma_wait3A_142 = tpu.memref_slice %arg2[%add3A, %dma_wait3A_141] : memref<32x25600xi32, #tpu.memory_space<hbm>> -> memref<1x25600xi32, #tpu.memory_space<hbm>>
      %dma_wait3A_143 = tpu.memref_squeeze %dma_wait3A_142 : memref<1x25600xi32, #tpu.memory_space<hbm>> -> memref<25600xi32, #tpu.memory_space<hbm>>
      tpu.wait_dma2 semaphore(%run_scoped3A : memref<!tpu.dma_semaphore, #tpu.memory_space<semaphore_mem>>) src(%dma_wait3A_143 : memref<25600xi32, #tpu.memory_space<hbm>>) dst(%arg6 : memref<25600xi32, #tpu.memory_space<vmem>>)
      tpu.yield
    }) : () -> ()
    "tpu.region"() ({
      %run_scoped3A = tpu.sem_alloc : memref<!tpu.dma_semaphore, #tpu.memory_space<semaphore_mem>>
      tpu.enqueue_dma source(%arg4 : memref<16xf32, #tpu.memory_space<hbm>>) target(%arg8 : memref<16xf32, #tpu.memory_space<vmem>>) target_semaphore(%run_scoped3A : memref<!tpu.dma_semaphore, #tpu.memory_space<semaphore_mem>>)
      tpu.wait_dma2 semaphore(%run_scoped3A : memref<!tpu.dma_semaphore, #tpu.memory_space<semaphore_mem>>) src(%arg4 : memref<16xf32, #tpu.memory_space<hbm>>) dst(%arg8 : memref<16xf32, #tpu.memory_space<vmem>>)
      tpu.yield
    }) : () -> ()
    %dma_start3A = arith.constant 0 : i32
    %dma_start3A_3 = tpu.memref_slice %arg3[%dma_start3A] : memref<1000000xf32, #tpu.memory_space<hbm>> -> memref<1000000xf32, #tpu.memory_space<hbm>>
    tpu.enqueue_indirect_dma source(%dma_start3A_3 : memref<1000000xf32, #tpu.memory_space<hbm>>) target(%arg7 : memref<25600xf32, #tpu.memory_space<vmem>>) offsets(%arg6 : memref<25600xi32, #tpu.memory_space<vmem>>) semaphore(%arg10 : memref<!tpu.dma_semaphore, #tpu.memory_space<semaphore_mem>>)
    %dma_wait3A = arith.constant 0 : i32
    %dma_wait3A_4 = tpu.memref_slice %arg3[%dma_wait3A] : memref<1000000xf32, #tpu.memory_space<hbm>> -> memref<1000000xf32, #tpu.memory_space<hbm>>
    tpu.wait_indirect_dma semaphore(%arg10 : memref<!tpu.dma_semaphore, #tpu.memory_space<semaphore_mem>>) src(%dma_wait3A_4 : memref<1000000xf32, #tpu.memory_space<hbm>>) dst(%arg7 : memref<25600xf32, #tpu.memory_space<vmem>>)
    %get3A = arith.constant 0 : index
    %get3A_5 = tpu.vector_load %arg8[%get3A] {strides = array<i32>} : memref<16xf32, #tpu.memory_space<vmem>>, vector<16xf32>,
    %get3A_6 = vector.shape_cast %get3A_5 : vector<16xf32> to vector<16xf32>
    %broadcast_in_dim3A = arith.constant 0.000000e+00 : f32
    %broadcast_in_dim3A_7 = vector.broadcast %broadcast_in_dim3A : f32 to vector<16xf32>
    %scan3A = arith.constant 0 : i32
    %scan3A_8 = arith.constant 200 : i32
    %scan3A_9 = arith.addi %scan3A, %scan3A_8 : i32
    %scan3A_10 = arith.constant 1 : i32
    %scan3A_11 = scf.for %scan3A_132 = %scan3A to %scan3A_9 step %scan3A_10 iter_args(%scan3A_133 = %broadcast_in_dim3A_7) -> (vector<16xf32>)  : i32 {
      %mul3A_134 = arith.constant 128 : i32
      %mul3A_135 = arith.muli %scan3A_132, %mul3A_134 : i32
      %add3A_136 = arith.constant 0 : i32
      %add3A_137 = arith.addi %mul3A_135, %add3A_136 : i32
      %get3A_138 = arith.index_cast %add3A_137 : i32 to index
      %get3A_139 = tpu.vector_load %arg7[%get3A_138] {strides = array<i32>} : memref<25600xf32, #tpu.memory_space<vmem>>, vector<16xf32>,
      %get3A_140 = vector.shape_cast %get3A_139 : vector<16xf32> to vector<16xf32>
      %add3A_141 = arith.addf %scan3A_133, %get3A_140 : vector<16xf32>
      scf.yield %add3A_141 : vector<16xf32>
    }
    %scan3A_12 = arith.constant 200 : i32
    %mul3A_13 = arith.constant 5.000000e-03 : f32
    %mul3A_14 = vector.broadcast %mul3A_13 : f32 to vector<16xf32>
    %mul3A_15 = arith.mulf %scan3A_11, %mul3A_14 : vector<16xf32>
    %add3A_16 = arith.addf %mul3A_15, %get3A_6 : vector<16xf32>
    %swap3A = arith.constant 0 : index
    %swap3A_17 = tpu.vector_load %arg9[%swap3A] {strides = array<i32>} : memref<128xf32, #tpu.memory_space<vmem>>, vector<16xf32>,
    %swap3A_18 = vector.shape_cast %swap3A_17 : vector<16xf32> to vector<16xf32>
    %swap3A_19 = vector.shape_cast %add3A_16 : vector<16xf32> to vector<16xf32>
    tpu.vector_store %arg9[%swap3A], %swap3A_19 {strides = array<i32>} : memref<128xf32, #tpu.memory_space<vmem>>, vector<16xf32>,
    %broadcast_in_dim3A_20 = arith.constant 0.000000e+00 : f32
    %broadcast_in_dim3A_21 = vector.broadcast %broadcast_in_dim3A_20 : f32 to vector<16xf32>
    %scan3A_22 = arith.constant 0 : i32
    %scan3A_23 = arith.constant 200 : i32
    %scan3A_24 = arith.addi %scan3A_22, %scan3A_23 : i32
    %scan3A_25 = arith.constant 1 : i32
    %scan3A_26 = scf.for %scan3A_132 = %scan3A_22 to %scan3A_24 step %scan3A_25 iter_args(%scan3A_133 = %broadcast_in_dim3A_21) -> (vector<16xf32>)  : i32 {
      %mul3A_134 = arith.constant 128 : i32
      %mul3A_135 = arith.muli %scan3A_132, %mul3A_134 : i32
      %add3A_136 = arith.constant 16 : i32
      %add3A_137 = arith.addi %mul3A_135, %add3A_136 : i32
      %get3A_138 = arith.index_cast %add3A_137 : i32 to index
      %get3A_139 = tpu.vector_load %arg7[%get3A_138] {strides = array<i32>} : memref<25600xf32, #tpu.memory_space<vmem>>, vector<16xf32>,
      %get3A_140 = vector.shape_cast %get3A_139 : vector<16xf32> to vector<16xf32>
      %add3A_141 = arith.addf %scan3A_133, %get3A_140 : vector<16xf32>
      scf.yield %add3A_141 : vector<16xf32>
    }
    %scan3A_27 = arith.constant 200 : i32
    %mul3A_28 = arith.constant 5.000000e-03 : f32
    %mul3A_29 = vector.broadcast %mul3A_28 : f32 to vector<16xf32>
    %mul3A_30 = arith.mulf %scan3A_26, %mul3A_29 : vector<16xf32>
    %add3A_31 = arith.addf %mul3A_30, %get3A_6 : vector<16xf32>
    %swap3A_32 = arith.constant 16 : index
    %swap3A_33 = tpu.vector_load %arg9[%swap3A_32] {strides = array<i32>} : memref<128xf32, #tpu.memory_space<vmem>>, vector<16xf32>,
    %swap3A_34 = vector.shape_cast %swap3A_33 : vector<16xf32> to vector<16xf32>
    %swap3A_35 = vector.shape_cast %add3A_31 : vector<16xf32> to vector<16xf32>
    tpu.vector_store %arg9[%swap3A_32], %swap3A_35 {strides = array<i32>} : memref<128xf32, #tpu.memory_space<vmem>>, vector<16xf32>,
    %broadcast_in_dim3A_36 = arith.constant 0.000000e+00 : f32
    %broadcast_in_dim3A_37 = vector.broadcast %broadcast_in_dim3A_36 : f32 to vector<16xf32>
    %scan3A_38 = arith.constant 0 : i32
    %scan3A_39 = arith.constant 200 : i32
    %scan3A_40 = arith.addi %scan3A_38, %scan3A_39 : i32
    %scan3A_41 = arith.constant 1 : i32
    %scan3A_42 = scf.for %scan3A_132 = %scan3A_38 to %scan3A_40 step %scan3A_41 iter_args(%scan3A_133 = %broadcast_in_dim3A_37) -> (vector<16xf32>)  : i32 {
      %mul3A_134 = arith.constant 128 : i32
      %mul3A_135 = arith.muli %scan3A_132, %mul3A_134 : i32
      %add3A_136 = arith.constant 32 : i32
      %add3A_137 = arith.addi %mul3A_135, %add3A_136 : i32
      %get3A_138 = arith.index_cast %add3A_137 : i32 to index
      %get3A_139 = tpu.vector_load %arg7[%get3A_138] {strides = array<i32>} : memref<25600xf32, #tpu.memory_space<vmem>>, vector<16xf32>,
      %get3A_140 = vector.shape_cast %get3A_139 : vector<16xf32> to vector<16xf32>
      %add3A_141 = arith.addf %scan3A_133, %get3A_140 : vector<16xf32>
      scf.yield %add3A_141 : vector<16xf32>
    }
    %scan3A_43 = arith.constant 200 : i32
    %mul3A_44 = arith.constant 5.000000e-03 : f32
    %mul3A_45 = vector.broadcast %mul3A_44 : f32 to vector<16xf32>
    %mul3A_46 = arith.mulf %scan3A_42, %mul3A_45 : vector<16xf32>
    %add3A_47 = arith.addf %mul3A_46, %get3A_6 : vector<16xf32>
    %swap3A_48 = arith.constant 32 : index
    %swap3A_49 = tpu.vector_load %arg9[%swap3A_48] {strides = array<i32>} : memref<128xf32, #tpu.memory_space<vmem>>, vector<16xf32>,
    %swap3A_50 = vector.shape_cast %swap3A_49 : vector<16xf32> to vector<16xf32>
    %swap3A_51 = vector.shape_cast %add3A_47 : vector<16xf32> to vector<16xf32>
    tpu.vector_store %arg9[%swap3A_48], %swap3A_51 {strides = array<i32>} : memref<128xf32, #tpu.memory_space<vmem>>, vector<16xf32>,
    %broadcast_in_dim3A_52 = arith.constant 0.000000e+00 : f32
    %broadcast_in_dim3A_53 = vector.broadcast %broadcast_in_dim3A_52 : f32 to vector<16xf32>
    %scan3A_54 = arith.constant 0 : i32
    %scan3A_55 = arith.constant 200 : i32
    %scan3A_56 = arith.addi %scan3A_54, %scan3A_55 : i32
    %scan3A_57 = arith.constant 1 : i32
    %scan3A_58 = scf.for %scan3A_132 = %scan3A_54 to %scan3A_56 step %scan3A_57 iter_args(%scan3A_133 = %broadcast_in_dim3A_53) -> (vector<16xf32>)  : i32 {
      %mul3A_134 = arith.constant 128 : i32
      %mul3A_135 = arith.muli %scan3A_132, %mul3A_134 : i32
      %add3A_136 = arith.constant 48 : i32
      %add3A_137 = arith.addi %mul3A_135, %add3A_136 : i32
      %get3A_138 = arith.index_cast %add3A_137 : i32 to index
      %get3A_139 = tpu.vector_load %arg7[%get3A_138] {strides = array<i32>} : memref<25600xf32, #tpu.memory_space<vmem>>, vector<16xf32>,
      %get3A_140 = vector.shape_cast %get3A_139 : vector<16xf32> to vector<16xf32>
      %add3A_141 = arith.addf %scan3A_133, %get3A_140 : vector<16xf32>
      scf.yield %add3A_141 : vector<16xf32>
    }
    %scan3A_59 = arith.constant 200 : i32
    %mul3A_60 = arith.constant 5.000000e-03 : f32
    %mul3A_61 = vector.broadcast %mul3A_60 : f32 to vector<16xf32>
    %mul3A_62 = arith.mulf %scan3A_58, %mul3A_61 : vector<16xf32>
    %add3A_63 = arith.addf %mul3A_62, %get3A_6 : vector<16xf32>
    %swap3A_64 = arith.constant 48 : index
    %swap3A_65 = tpu.vector_load %arg9[%swap3A_64] {strides = array<i32>} : memref<128xf32, #tpu.memory_space<vmem>>, vector<16xf32>,
    %swap3A_66 = vector.shape_cast %swap3A_65 : vector<16xf32> to vector<16xf32>
    %swap3A_67 = vector.shape_cast %add3A_63 : vector<16xf32> to vector<16xf32>
    tpu.vector_store %arg9[%swap3A_64], %swap3A_67 {strides = array<i32>} : memref<128xf32, #tpu.memory_space<vmem>>, vector<16xf32>,
    %broadcast_in_dim3A_68 = arith.constant 0.000000e+00 : f32
    %broadcast_in_dim3A_69 = vector.broadcast %broadcast_in_dim3A_68 : f32 to vector<16xf32>
    %scan3A_70 = arith.constant 0 : i32
    %scan3A_71 = arith.constant 200 : i32
    %scan3A_72 = arith.addi %scan3A_70, %scan3A_71 : i32
    %scan3A_73 = arith.constant 1 : i32
    %scan3A_74 = scf.for %scan3A_132 = %scan3A_70 to %scan3A_72 step %scan3A_73 iter_args(%scan3A_133 = %broadcast_in_dim3A_69) -> (vector<16xf32>)  : i32 {
      %mul3A_134 = arith.constant 128 : i32
      %mul3A_135 = arith.muli %scan3A_132, %mul3A_134 : i32
      %add3A_136 = arith.constant 64 : i32
      %add3A_137 = arith.addi %mul3A_135, %add3A_136 : i32
      %get3A_138 = arith.index_cast %add3A_137 : i32 to index
      %get3A_139 = tpu.vector_load %arg7[%get3A_138] {strides = array<i32>} : memref<25600xf32, #tpu.memory_space<vmem>>, vector<16xf32>,
      %get3A_140 = vector.shape_cast %get3A_139 : vector<16xf32> to vector<16xf32>
      %add3A_141 = arith.addf %scan3A_133, %get3A_140 : vector<16xf32>
      scf.yield %add3A_141 : vector<16xf32>
    }
    %scan3A_75 = arith.constant 200 : i32
    %mul3A_76 = arith.constant 5.000000e-03 : f32
    %mul3A_77 = vector.broadcast %mul3A_76 : f32 to vector<16xf32>
    %mul3A_78 = arith.mulf %scan3A_74, %mul3A_77 : vector<16xf32>
    %add3A_79 = arith.addf %mul3A_78, %get3A_6 : vector<16xf32>
    %swap3A_80 = arith.constant 64 : index
    %swap3A_81 = tpu.vector_load %arg9[%swap3A_80] {strides = array<i32>} : memref<128xf32, #tpu.memory_space<vmem>>, vector<16xf32>,
    %swap3A_82 = vector.shape_cast %swap3A_81 : vector<16xf32> to vector<16xf32>
    %swap3A_83 = vector.shape_cast %add3A_79 : vector<16xf32> to vector<16xf32>
    tpu.vector_store %arg9[%swap3A_80], %swap3A_83 {strides = array<i32>} : memref<128xf32, #tpu.memory_space<vmem>>, vector<16xf32>,
    %broadcast_in_dim3A_84 = arith.constant 0.000000e+00 : f32
    %broadcast_in_dim3A_85 = vector.broadcast %broadcast_in_dim3A_84 : f32 to vector<16xf32>
    %scan3A_86 = arith.constant 0 : i32
    %scan3A_87 = arith.constant 200 : i32
    %scan3A_88 = arith.addi %scan3A_86, %scan3A_87 : i32
    %scan3A_89 = arith.constant 1 : i32
    %scan3A_90 = scf.for %scan3A_132 = %scan3A_86 to %scan3A_88 step %scan3A_89 iter_args(%scan3A_133 = %broadcast_in_dim3A_85) -> (vector<16xf32>)  : i32 {
      %mul3A_134 = arith.constant 128 : i32
      %mul3A_135 = arith.muli %scan3A_132, %mul3A_134 : i32
      %add3A_136 = arith.constant 80 : i32
      %add3A_137 = arith.addi %mul3A_135, %add3A_136 : i32
      %get3A_138 = arith.index_cast %add3A_137 : i32 to index
      %get3A_139 = tpu.vector_load %arg7[%get3A_138] {strides = array<i32>} : memref<25600xf32, #tpu.memory_space<vmem>>, vector<16xf32>,
      %get3A_140 = vector.shape_cast %get3A_139 : vector<16xf32> to vector<16xf32>
      %add3A_141 = arith.addf %scan3A_133, %get3A_140 : vector<16xf32>
      scf.yield %add3A_141 : vector<16xf32>
    }
    %scan3A_91 = arith.constant 200 : i32
    %mul3A_92 = arith.constant 5.000000e-03 : f32
    %mul3A_93 = vector.broadcast %mul3A_92 : f32 to vector<16xf32>
    %mul3A_94 = arith.mulf %scan3A_90, %mul3A_93 : vector<16xf32>
    %add3A_95 = arith.addf %mul3A_94, %get3A_6 : vector<16xf32>
    %swap3A_96 = arith.constant 80 : index
    %swap3A_97 = tpu.vector_load %arg9[%swap3A_96] {strides = array<i32>} : memref<128xf32, #tpu.memory_space<vmem>>, vector<16xf32>,
    %swap3A_98 = vector.shape_cast %swap3A_97 : vector<16xf32> to vector<16xf32>
    %swap3A_99 = vector.shape_cast %add3A_95 : vector<16xf32> to vector<16xf32>
    tpu.vector_store %arg9[%swap3A_96], %swap3A_99 {strides = array<i32>} : memref<128xf32, #tpu.memory_space<vmem>>, vector<16xf32>,
    %broadcast_in_dim3A_100 = arith.constant 0.000000e+00 : f32
    %broadcast_in_dim3A_101 = vector.broadcast %broadcast_in_dim3A_100 : f32 to vector<16xf32>
    %scan3A_102 = arith.constant 0 : i32
    %scan3A_103 = arith.constant 200 : i32
    %scan3A_104 = arith.addi %scan3A_102, %scan3A_103 : i32
    %scan3A_105 = arith.constant 1 : i32
    %scan3A_106 = scf.for %scan3A_132 = %scan3A_102 to %scan3A_104 step %scan3A_105 iter_args(%scan3A_133 = %broadcast_in_dim3A_101) -> (vector<16xf32>)  : i32 {
      %mul3A_134 = arith.constant 128 : i32
      %mul3A_135 = arith.muli %scan3A_132, %mul3A_134 : i32
      %add3A_136 = arith.constant 96 : i32
      %add3A_137 = arith.addi %mul3A_135, %add3A_136 : i32
      %get3A_138 = arith.index_cast %add3A_137 : i32 to index
      %get3A_139 = tpu.vector_load %arg7[%get3A_138] {strides = array<i32>} : memref<25600xf32, #tpu.memory_space<vmem>>, vector<16xf32>,
      %get3A_140 = vector.shape_cast %get3A_139 : vector<16xf32> to vector<16xf32>
      %add3A_141 = arith.addf %scan3A_133, %get3A_140 : vector<16xf32>
      scf.yield %add3A_141 : vector<16xf32>
    }
    %scan3A_107 = arith.constant 200 : i32
    %mul3A_108 = arith.constant 5.000000e-03 : f32
    %mul3A_109 = vector.broadcast %mul3A_108 : f32 to vector<16xf32>
    %mul3A_110 = arith.mulf %scan3A_106, %mul3A_109 : vector<16xf32>
    %add3A_111 = arith.addf %mul3A_110, %get3A_6 : vector<16xf32>
    %swap3A_112 = arith.constant 96 : index
    %swap3A_113 = tpu.vector_load %arg9[%swap3A_112] {strides = array<i32>} : memref<128xf32, #tpu.memory_space<vmem>>, vector<16xf32>,
    %swap3A_114 = vector.shape_cast %swap3A_113 : vector<16xf32> to vector<16xf32>
    %swap3A_115 = vector.shape_cast %add3A_111 : vector<16xf32> to vector<16xf32>
    tpu.vector_store %arg9[%swap3A_112], %swap3A_115 {strides = array<i32>} : memref<128xf32, #tpu.memory_space<vmem>>, vector<16xf32>,
    %broadcast_in_dim3A_116 = arith.constant 0.000000e+00 : f32
    %broadcast_in_dim3A_117 = vector.broadcast %broadcast_in_dim3A_116 : f32 to vector<16xf32>
    %scan3A_118 = arith.constant 0 : i32
    %scan3A_119 = arith.constant 200 : i32
    %scan3A_120 = arith.addi %scan3A_118, %scan3A_119 : i32
    %scan3A_121 = arith.constant 1 : i32
    %scan3A_122 = scf.for %scan3A_132 = %scan3A_118 to %scan3A_120 step %scan3A_121 iter_args(%scan3A_133 = %broadcast_in_dim3A_117) -> (vector<16xf32>)  : i32 {
      %mul3A_134 = arith.constant 128 : i32
      %mul3A_135 = arith.muli %scan3A_132, %mul3A_134 : i32
      %add3A_136 = arith.constant 112 : i32
      %add3A_137 = arith.addi %mul3A_135, %add3A_136 : i32
      %get3A_138 = arith.index_cast %add3A_137 : i32 to index
      %get3A_139 = tpu.vector_load %arg7[%get3A_138] {strides = array<i32>} : memref<25600xf32, #tpu.memory_space<vmem>>, vector<16xf32>,
      %get3A_140 = vector.shape_cast %get3A_139 : vector<16xf32> to vector<16xf32>
      %add3A_141 = arith.addf %scan3A_133, %get3A_140 : vector<16xf32>
      scf.yield %add3A_141 : vector<16xf32>
    }
    %scan3A_123 = arith.constant 200 : i32
    %mul3A_124 = arith.constant 5.000000e-03 : f32
    %mul3A_125 = vector.broadcast %mul3A_124 : f32 to vector<16xf32>
    %mul3A_126 = arith.mulf %scan3A_122, %mul3A_125 : vector<16xf32>
    %add3A_127 = arith.addf %mul3A_126, %get3A_6 : vector<16xf32>
    %swap3A_128 = arith.constant 112 : index
    %swap3A_129 = tpu.vector_load %arg9[%swap3A_128] {strides = array<i32>} : memref<128xf32, #tpu.memory_space<vmem>>, vector<16xf32>,
    %swap3A_130 = vector.shape_cast %swap3A_129 : vector<16xf32> to vector<16xf32>
    %swap3A_131 = vector.shape_cast %add3A_127 : vector<16xf32> to vector<16xf32>
    tpu.vector_store %arg9[%swap3A_128], %swap3A_131 {strides = array<i32>} : memref<128xf32, #tpu.memory_space<vmem>>, vector<16xf32>,
    "tpu.region"() ({
      %run_scoped3A = tpu.sem_alloc : memref<!tpu.dma_semaphore, #tpu.memory_space<semaphore_mem>>
      %dma_start3A_132 = tpu.memref_slice %arg5[%mul3A_2] : memref<4096xf32, #tpu.memory_space<hbm>> -> memref<128xf32, #tpu.memory_space<hbm>>
      %dma_start3A_133 = tpu.memref_slice %arg5[%mul3A_2] : memref<4096xf32, #tpu.memory_space<hbm>> -> memref<128xf32, #tpu.memory_space<hbm>>
      tpu.enqueue_dma source(%arg9 : memref<128xf32, #tpu.memory_space<vmem>>) target(%dma_start3A_133 : memref<128xf32, #tpu.memory_space<hbm>>) target_semaphore(%run_scoped3A : memref<!tpu.dma_semaphore, #tpu.memory_space<semaphore_mem>>)
      %dma_wait3A_134 = tpu.memref_slice %arg5[%mul3A_2] : memref<4096xf32, #tpu.memory_space<hbm>> -> memref<128xf32, #tpu.memory_space<hbm>>
      %dma_wait3A_135 = tpu.memref_slice %arg5[%mul3A_2] : memref<4096xf32, #tpu.memory_space<hbm>> -> memref<128xf32, #tpu.memory_space<hbm>>
      tpu.wait_dma2 semaphore(%run_scoped3A : memref<!tpu.dma_semaphore, #tpu.memory_space<semaphore_mem>>) src(%arg9 : memref<128xf32, #tpu.memory_space<vmem>>) dst(%dma_wait3A_135 : memref<128xf32, #tpu.memory_space<hbm>>)
      tpu.yield
    }) : () -> ()
    return
  }
}

module attributes {stable_mosaic.version = 14 : i64} {
  func.func @_red_body(%arg0: i32, %arg1: memref<8000x64xf32, #tpu.memory_space<vmem>>, %arg2: memref<8x1000xf32, #tpu.memory_space<vmem>>) attributes {dimension_semantics = [#tpu.dimension_semantics<arbitrary>], iteration_bounds = array<i64: 125>, scalar_prefetch = 0 : i64, scratch_operands = 0 : i64, tpu.core_type = #tpu.core_type<tc>, window_params = [{transform_indices = @transform_0, window_bounds = array<i64: 8000, 64>}, {transform_indices = @transform_1, window_bounds = array<i64: 8, 1000>}]} {
    %get3A = arith.constant 0 : index
    %get3A_0 = arith.constant 0 : index
    %get3A_1 = vector.load %arg1[%get3A, %get3A_0] : memref<8000x64xf32, #tpu.memory_space<vmem>>, vector<8000x64xf32>
    %reduce_sum3A = arith.constant dense<0.000000e+00> : vector<8000xf32>
    %reduce_sum3A_2 = vector.multi_reduction <add>, %get3A_1, %reduce_sum3A [1] : vector<8000x64xf32> to vector<8000xf32>
    %reshape3A = vector.shape_cast %reduce_sum3A_2 : vector<8000xf32> to vector<8x1000xf32>
    %swap3A = arith.constant 0 : index
    %swap3A_3 = arith.constant 0 : index
    %swap3A_4 = vector.load %arg2[%swap3A, %swap3A_3] : memref<8x1000xf32, #tpu.memory_space<vmem>>, vector<8x1000xf32>
    tpu.vector_store %arg2[%swap3A, %swap3A_3], %reshape3A {strides = array<i32>} : memref<8x1000xf32, #tpu.memory_space<vmem>>, vector<8x1000xf32>,
    return
  }
  func.func @transform_0(%arg0: i32) -> (i32, i32) {
    %c0_i32 = arith.constant 0 : i32
    %c0_i32_0 = arith.constant 0 : i32
    return %arg0, %c0_i32 : i32, i32
  }
  func.func @transform_1(%arg0: i32) -> (i32, i32) {
    %c0_i32 = arith.constant 0 : i32
    %c0_i32_0 = arith.constant 0 : i32
    return %arg0, %c0_i32 : i32, i32
  }
}

</mosaic_0001>

<sc_bundles>
// kernel: kernel.5.cloned.1.call-start
scs
__scs_entry_jumppad:
0x0: {  	(pc) =	sbr.rel $0x88, $3  }
0x1: {  	(tag) =	ssettag $0x0;
	lr =	simm.s32 $0x1  }
0x2: {  	[smem:$0x3F9D] =	sst lr;
	_ =	strace $0xD0000000  }
0x3: {  	_ = 	snop  }
0x4: {  	_ = 	snop  }
0x5: {  	_ = 	snop  }
0x6: {  	_ = 	snop  }
0x7: {  	_ = 	snop  }
__scs_overlays_trampoline_lowered:
0x8: {  	[smem:$0x3FAC] =	sst s0  }
0x9: {  	[smem:$0x3FAD] =	sst s1  }
0xa: {  	[smem:$0x3FAE] =	sst s2  }
0xb: {  	[smem:$0x3FAF] =	sst s3  }
0xc: {  	[smem:$0x3FB0] =	sst s4  }
0xd: {  	[smem:$0x3FB1] =	sst s5  }
0xe: {  	[smem:$0x3FB2] =	sst s6  }
0xf: {  	[smem:$0x3FB3] =	sst s7  }
0x10: {  	[smem:$0x3FB4] =	sst s8  }
0x11: {  	[smem:$0x3FB5] =	sst s9;
	s0 =	simm.s32 @!p0 $0x0  }
0x12: {  	s1 =	sld [smem:$0x3F9B];
	s0 =	simm.s32 @p0 $0x1  }
0x13: {  	[smem:$0x3FB6] =	sst s0;
	s0 =	simm.s32 @!p1 $0x0  }
0x14: {  	s2 =	sld [smem:$0x3F9A];
	s0 =	simm.s32 @p1 $0x1  }
0x15: {  	[smem:$0x3FB7] =	sst s0;
	s0 =	simm.s32 @!p2 $0x0  }
0x16: {  	s3 =	sld [smem:$0x3FDB];
	s0 =	simm.s32 @p2 $0x1  }
0x17: {  	s4 =	simm.s32 $0x1BF5;
	[smem:$0x3FB9] =	sst s0  }
0x18: {  	s0 =	sld [smem:$0x3F9C];
	_ =	swait.ge [sflag:s4], $0x0  }
0x19: {  	s7 =	sld [smem:$0x3F9D]  }
0x1a: {  	s8 =	sadd.s32 $0xFFFFE003, lr  }
0x1b: {  	s9 =	sadd.s32 $0xFFFFFEF7, lr;
	s5 =	simm.s32 $0xFFFFFFFF;
	p2 =	slt.u32 s8, $0xFFFFF086  }
0x1c: {  	p1 =	slt.u32 s9, $0xF7A;
	s5 =	simm.s32 @!p2 $0x0  }
0x1d: {  	s5 =	simm.s32 @p1 $0x1;
	p0 =	seq.s32 s7, s2  }
0x1e: {  	s7 =	smul.u32 @!p0 $0xF7A, s2;
	p2 =	seq.s32 @!p0 s5, $0x0  }
0x1f: {  	s9 =	smul.u32 $0xF7A, s1;
	s8 =	simm.s32 @!p0 $0x1BF5;
	p2 =	por !p2, p0  }
0x20: {  	[sflag:s8] =	ssyncset.s32 @!p0 $0xFFFFF086;
	s6 =	sadd.s32 @!p0 s3, s7;
	s7 =	simm.s32 @!p0 $0x108  }
0x21: {  	s3 =	sadd.s32 s3, s9;
	s6 =	sadd.s32 @!p0 $0x88, s6;
	s7 =	simm.s32 @p2 $0x1082  }
0x22: {  	[simem:s7], [sflag:s8] =	dma.local @!p0 [hbm:s6], $0xF7A  }
0x23: {  	s9 =	sor.u32 $0xD0000000, s2;
	s6 =	simm.s32 $0x108;
	_ =	swait.ge @!p0 [sflag:s8], $0x0  }
0x24: {  	s3 =	sadd.s32 $0x88, s3;
	s6 =	simm.s32 @!p1 $0x1082;
	[sflag:s4] =	ssyncset.s32 $0xFFFFF086  }
0x25: {  	[simem:s6], [sflag:s4] =	dma.local [hbm:s3], $0xF7A  }
0x26: {  	[smem:$0x3F9D] =	sst s1;
	(tag) =	ssettag s2;
	_ =	strace s9  }
0x27: {  	s1 =	sld [smem:$0x3FAD]  }
0x28: {  	s2 =	sld [smem:$0x3FAE]  }
0x29: {  	s4 =	sld [smem:$0x3FB0]  }
0x2a: {  	p0 =	seq.s32 s5, $0x0;
	s5 =	sld [smem:$0x3FB1]  }
0x2b: {  	s6 =	sld [smem:$0x3FB2]  }
0x2c: {  	s7 =	sld [smem:$0x3FB3]  }
0x2d: {  	s3 =	simm.s32 $0x108;
	s8 =	sld [smem:$0x3FB4]  }
0x2e: {  	s3 =	simm.s32 @!p0 $0x1082;
	s9 =	sld [smem:$0x3FB5]  }
0x2f: {  	lr =	sadd.s32 s0, s3;
	s0 =	sld [smem:$0x3FAC]  }
0x30: {  	s3 =	sld [smem:$0x3FAF]  }
0x31: {  	[smem:$0x3FB8] =	sst s10  }
0x32: {  	s10 =	sld [smem:$0x3FB6];
	_ =	sdelay $0x3  }
0x33: {  	p0 =	seq.s32 s10, $0x1;
	s10 =	sld [smem:$0x3FB8];
	_ =	sdelay $0x3  }
0x34: {  	[smem:$0x3FB8] =	sst s10  }
0x35: {  	s10 =	sld [smem:$0x3FB7];
	_ =	sdelay $0x3  }
0x36: {  	p1 =	seq.s32 s10, $0x1;
	s10 =	sld [smem:$0x3FB8];
	_ =	sdelay $0x3  }
0x37: {  	[smem:$0x3FB8] =	sst s10  }
0x38: {  	s10 =	sld [smem:$0x3FB9]  }
0x39: {  	_ = 	snop;
	(pc) =	sbr.ind lr, $3  }
0x3a: {  	_ = 	snop  }
0x3b: {  	_ = 	snop  }
0x3c: {  	p2 =	seq.s32 s10, $0x1;
	s10 =	sld [smem:$0x3FB8]  }
0x3d: {  	_ =	shalt  }
0x3e: {  	_ =	shalt  }
0x3f: {  	_ =	shalt  }
0x40: {  	_ =	shalt  }
0x41: {  	_ =	shalt  }
0x42: {  	_ =	shalt  }
0x43: {  	_ =	shalt  }
0x44: {  	_ =	shalt  }
0x45: {  	_ =	shalt  }
0x46: {  	_ =	shalt  }
0x47: {  	_ =	shalt  }
0x48: {  	_ =	shalt  }
0x49: {  	_ =	shalt  }
0x4a: {  	_ =	shalt  }
0x4b: {  	_ =	shalt  }
0x4c: {  	_ =	shalt  }
0x4d: {  	_ =	shalt  }
0x4e: {  	_ =	shalt  }
0x4f: {  	_ =	shalt  }
0x50: {  	_ =	shalt  }
0x51: {  	_ =	shalt  }
0x52: {  	_ =	shalt  }
0x53: {  	_ =	shalt  }
0x54: {  	_ =	shalt  }
0x55: {  	_ =	shalt  }
0x56: {  	_ =	shalt  }
0x57: {  	_ =	shalt  }
0x58: {  	_ =	shalt  }
0x59: {  	_ =	shalt  }
0x5a: {  	_ =	shalt  }
0x5b: {  	_ =	shalt  }
0x5c: {  	_ =	shalt  }
0x5d: {  	_ =	shalt  }
0x5e: {  	_ =	shalt  }
0x5f: {  	_ =	shalt  }
0x60: {  	_ =	shalt  }
0x61: {  	_ =	shalt  }
0x62: {  	_ =	shalt  }
0x63: {  	_ =	shalt  }
0x64: {  	_ =	shalt  }
0x65: {  	_ =	shalt  }
0x66: {  	_ =	shalt  }
0x67: {  	_ =	shalt  }
0x68: {  	_ =	shalt  }
0x69: {  	_ =	shalt  }
0x6a: {  	_ =	shalt  }
0x6b: {  	_ =	shalt  }
0x6c: {  	_ =	shalt  }
0x6d: {  	_ =	shalt  }
0x6e: {  	_ =	shalt  }
0x6f: {  	_ =	shalt  }
0x70: {  	_ =	shalt  }
0x71: {  	_ =	shalt  }
0x72: {  	_ =	shalt  }
0x73: {  	_ =	shalt  }
0x74: {  	_ =	shalt  }
0x75: {  	_ =	shalt  }
0x76: {  	_ =	shalt  }
0x77: {  	_ =	shalt  }
0x78: {  	_ =	shalt  }
0x79: {  	_ =	shalt  }
0x7a: {  	_ =	shalt  }
0x7b: {  	_ =	shalt  }
0x7c: {  	_ =	shalt  }
0x7d: {  	_ =	shalt  }
0x7e: {  	_ =	shalt  }
0x7f: {  	_ =	shalt  }
0x80: {  	_ =	shalt  }
0x81: {  	_ =	shalt  }
0x82: {  	_ =	shalt  }
0x83: {  	_ =	shalt  }
0x84: {  	_ =	shalt  }
0x85: {  	_ =	shalt  }
0x86: {  	_ =	shalt  }
0x87: {  	_ =	shalt  }
.Lfunc_end0:
.L_simem_size_0:
called_computation_lowered:
.L_overlay_start_0:
0x88: {  	s2 =	sld [smem:$0x3FD9]  }
0x89: {  	s3 =	sld [smem:$0x3FFE];
	_ =	sdelay $0x1  }
0x8a: {  	s1 =	srdreg.scid  }
0x8b: {  	s0 =	sand.u32 $0x1, s1  }
0x8c: {  	s17 =	sshll.u32 s0, $0xA;
	s2 =	sadd.s32 s3, s2  }
0x8d: {  	s2 =	sadd.s32 s2, s17  }
0x8e: {  	[smem:$0x3FC4] =	sst s2  }
0x8f: {  	_ = 	snop  }
0x90: {  	s2 =	sld [smem:$0x3FD0];
	(tm) =	ssettm $0x1  }
0x91: {  	s18 =	sld [smem:$0x3FFB];
	_ =	sdelay $0x3  }
0x92: {  	_ =	strace s18  }
0x93: {  	s3 =	sld [smem:$0x3FFC];
	_ =	sdelay $0x3  }
0x94: {  	_ =	strace s3  }
0x95: {  	s3 =	sld [smem:$0x3FFD];
	_ =	sdelay $0x3  }
0x96: {  	_ =	strace s3  }
0x97: {  	_ =	strace $0x8FFFFFFF  }
0x98: {  	s19 =	sld [smem:$0x3FDB];
	_ =	sdelay $0x1  }
0x99: {  	s4 =	simm.s32 $_scs_section_size  }
0x9a: {  	s5 =	simm.s32 $_size__tile_overlayer_lowered;
	s6 =	simm.s32 $_tile_overlayer_lowered  }
0x9b: {  	s22 =	simm.s32 $0x1BFF;
	s21 =	sshll.u32 s6, $0x1;
	s3 =	sadd.s32 s4, s19  }
0x9c: {  	s7 =	simm.s32 $0x0;
	s20 =	sshll.u32 s5, $0x1;
	s5 =	sadd.s32 s21, s3  }
0x9d: {  	[timem:s7], [sflag:s22] =	dma.local [hbm:s5], s20  }
0x9e: {  	_ =	swait.ge [sflag:s22], s20  }
0x9f: {  	s4 =	ssub.s32 $0x0, s20;
	[sflag:s22] =	ssyncset.done $0x0  }
0xa0: {  	[sflag:s22] =	ssyncadd.s32 s4;
	_ =	sdelay $0x1  }
0xa1: {  	s23 =	simm.s32 $0x1B8B  }
0xa2: {  	_ =	swait.ge [sflag:s23], $0x1  }
0xa3: {  	[sflag:s23] =	ssyncset.done $0x0  }
0xa4: {  	s25 =	simm.s32 $0x1B8E;
	s24 =	sld [smem:$0x3FFE];
	[sflag:s23] =	ssyncadd.s32 $0xFFFFFFFF  }
0xa5: {  	s26 =	simm.s32 $execute0_lowered;
	[smem:$0x3FD2] =	sst s25  }
0xa6: {  	s5 =	sshll.u32 s26, $0x1;
	_ =	strace $0x80000046;
	[dreg:$0x1] =	wrdreg $0xFFFFFFFF  }
0xa7: {  	s28 =	simm.s32 $_size_execute0_lowered;
	s3 =	sadd.s32 s3, s5;
	[dreg:$0x0] =	wrdreg $0x0  }
0xa8: {  	s5 =	sshll.u32 s28, $0x1;
	[dreg:$0x2] =	wrdreg s3  }
0xa9: {  	[dreg:$0x3] =	wrdreg s5  }
0xaa: {  	[dreg:$0x4] =	wrdreg $0xC0  }
0xab: {  	_ =	task [dreg:s7], $0x5FFFF  }
0xac: {  	[dreg:$0x1] =	wrdreg $0xFFFFFFFF  }
0xad: {  	[dreg:$0x0] =	wrdreg $0x60  }
0xae: {  	[dreg:$0x2] =	wrdreg s24  }
0xaf: {  	[dreg:$0x3] =	wrdreg s2  }
0xb0: {  	[dreg:$0x4] =	wrdreg $0x9  }
0xb1: {  	_ =	task.clear_ibuf [dreg:s7], $0x5FFFF;
	_ =	strace $0x90000046  }
0xb2: {  	s29 =	simm.s32 $0x9;
	_ =	strace $0x80000048  }
0xb3: {  	_ =	swait.ge [sflag:s29], $0x1  }
0xb4: {  	[sflag:s29] =	ssyncadd.s32 $0xFFFFFFFF  }
0xb5: {  	_ =	strace $0x90000048  }
0xb6: {  	_ =	sfence  }
0xb7: {  	s30 =	sld [smem:$0x0];
	_ =	sdelay $0x2  }
0xb8: {  	s31 =	sshll.u32 s1, $0xD;
	s1 =	sshrl.u32 s1, $0x2  }
0xb9: {  	s3 =	sand.u32 $0x4000, s31;
	s1 =	sadd.s32 s1, s30  }
0xba: {  	s0 =	sor.u32 s3, s0;
	s1 =	sshll.u32 s1, $0x11  }
0xbb: {  	s0 =	sor.u32 s1, s0  }
0xbc: {  	s0 =	sadd.s32 $0x8F2B, s0  }
0xbd: {  	[sflag:s0] =	ssyncadd.remote.s32 $0x1  }
0xbe: {  	_ =	sfence.sel $0xFFFF  }
0xbf: {  	[dreg:$0x0] =	wrdreg $0xFFFFFFFF;
	(pc) =	sbr.abs _section_cstart, $3  }
0xc0: {  	[dreg:$0x1] =	wrdreg $0xFFFFFFFF  }
0xc1: {  	_ =	task.clear_ibuf [dreg:s7], $0x2FFFF;
	_ =	strace $0x9FFFFFFF  }
0xc2: {  	(tm) =	ssettm $0x7FFFFFFF  }
0xc3: {  	_ =	shalt  }
tec
execute0_lowered:
.L_overlay_start_1:
0x0: {  	(tag) =	ssettag $0x1  }
0x1: {  	s1 =	srdreg.scid;
	s5 =	rddreg [dreg:$0x0]  }
0x2: {  	s0 =	stileid.u32;
	s7 =	rddreg [dreg:$0x1];
	s2 =	simm.s32 $0x0  }
0x3: {  	s10 =	simm.s32 $0x2;
	s11 =	simm.s32 $0xC800;
	s12 =	simm.s32 $0x6400  }
0x4: {  	s13 =	simm.s32 $0x1;
	s14 =	simm.s32 $0xC880;
	s15 =	simm.s32 $0x0  }
0x5: {  	s4 =	sand.u32 $0x1, s1;
	s28 =	sshll.u32 s0, $0x1;
	s1 =	rddreg [dreg:$0x2]  }
0x6: {  	s29 =	sshrl.u32 s0, $0x2;
	[smem:$0x7FF] =	sst s2;
	s6 =	sor.u32 s4, s28  }
0x7: {  	s3 =	smul.u32 $0x32000, s29;
	_ =	strace $0x80000047;
	s8 =	sshll.u32 s6, $0x7  }
0x8: {  	s9 =	ssub.s32 $0x2, s4;
	s4 =	sadd.s32 $0x38200, s5;
	s8 =	sand.u32 $0x380, s8  }
0x9: {  	s31 =	sshrl.u32 s9, $0x1;
	s6 =	sshll.u32 s6, $0x4;
	s3 =	sor.u32 s3, s8  }
0xa: {  	s9 =	ssub.s32 s9, s31;
	s6 =	sadd.s32 s7, s6;
	s3 =	sshrl.u32 s3, $0x3  }
0xb: {  	s7 =	smax.u32 s9, $0x1;
	s8 =	simm.s32 $0x80;
	s30 =	sadd.s32 s3, s5  }
0xc: {  	s9 =	simm.s32 $0x400;
	s3 =	sadd.s32 $0x800, s5;
	s5 =	sadd.s32 $0x1F200, s30  }
.LBB2_1:
0xd: {  	[tilespmem:s2], [sflag:$0x2] =	stream.strided.gather [hbm4b:s5+s8], $0x6400, s9, s8, $0x38;
	[tilespmem:$0xC900] =	vst v63  }
0xe: {  	_ =	swait.ge [sflag:s10], $0x6400  }
0xf: {  	[sflag:s10] =	ssyncset.done $0x0  }
0x10: {  	[sflag:s10] =	ssyncadd.s32 $0xFFFF9C00  }
0x11: {  	[tilespmem:s11], [sflag:$0x2] =	stream.linear.gather [hbm4b:s4+s2], $0x80, $0x38;
	[tilespmem:$0xC900] =	vst v63  }
0x12: {  	_ =	swait.ge [sflag:s10], $0x80  }
0x13: {  	[sflag:s10] =	ssyncset.done $0x0  }
0x14: {  	[sflag:s10] =	ssyncadd.s32 $0xFFFFFF80  }
0x15: {  	[tilespmem:s12], [sflag:$0x1] =	stream.indirect.gather [hbm4b:s3+s12], $0x1, s2, s12, $0xb8;
	[tilespmem:$0xC900] =	vst v63  }
0x16: {  	_ =	swait.ge [sflag:s13], $0x6400  }
0x17: {  	[sflag:s13] =	ssyncset.done $0x0  }
0x18: {  	[sflag:s13] =	ssyncadd.s32 $0xFFFF9C00  }
0x19: {  	s17 =	simm.s32 $0x0;
	v0 =	vld [tilespmem:$0xC800]  }
0x1a: {  	v1 =	vimm.f32 $0.0e+00;
	s16 =	simm.s32 $0x200;
	v2 =	vld [tilespmem:s17+$0x6400]  }
.LBB2_2:
0x1b: {  	p0 =	sne.s32 s16, $0x18E00  }
.Ltmp0:
0x1c: {  	_ = 	snop;
	(pc) =	sbr.rel @p0 .LBB2_2-.Ltmp0, $3  }
0x1d: {  	_ =	sdelay $0x1  }
0x1e: {  	s17 =	sshra.s32 s16, $0x2;
	s16 =	sadd.s32 $0x200, s16;
	v1 =	vadd.f32 v2, v1  }
0x1f: {  	v2 =	vld [tilespmem:s17+$0x6400]  }
0x20: {  	_ =	sdelay $0x3  }
0x21: {  	v1 =	vadd.f32 v2, v1;
	_ =	sdelay $0x1  }
0x22: {  	v1 =	vmul.f32 $4.999999890e-03, v1;
	_ =	sdelay $0x1  }
0x23: {  	v1 =	vadd.f32 v1, v0;
	_ =	sdelay $0x1  }
0x24: {  	s17 =	simm.s32 $0x10;
	[tilespmem:$0xC880] =	vst v1  }
0x25: {  	s16 =	simm.s32 $0x240;
	v1 =	vimm.f32 $0.0e+00;
	v2 =	vld [tilespmem:s17+$0x6400]  }
.LBB2_4:
0x26: {  	p0 =	sne.s32 s16, $0x18E40  }
.Ltmp1:
0x27: {  	_ = 	snop;
	(pc) =	sbr.rel @p0 .LBB2_4-.Ltmp1, $3  }
0x28: {  	_ =	sdelay $0x1  }
0x29: {  	s17 =	sshra.s32 s16, $0x2;
	s16 =	sadd.s32 $0x200, s16;
	v1 =	vadd.f32 v2, v1  }
0x2a: {  	v2 =	vld [tilespmem:s17+$0x6400]  }
0x2b: {  	_ =	sdelay $0x3  }
0x2c: {  	v1 =	vadd.f32 v2, v1;
	_ =	sdelay $0x1  }
0x2d: {  	v1 =	vmul.f32 $4.999999890e-03, v1;
	_ =	sdelay $0x1  }
0x2e: {  	v1 =	vadd.f32 v1, v0;
	_ =	sdelay $0x1  }
0x2f: {  	s17 =	simm.s32 $0x20;
	[tilespmem:$0xC890] =	vst v1  }
0x30: {  	s16 =	simm.s32 $0x280;
	v1 =	vimm.f32 $0.0e+00;
	v2 =	vld [tilespmem:s17+$0x6400]  }
.LBB2_6:
0x31: {  	p0 =	sne.s32 s16, $0x18E80  }
.Ltmp2:
0x32: {  	_ = 	snop;
	(pc) =	sbr.rel @p0 .LBB2_6-.Ltmp2, $3  }
0x33: {  	_ =	sdelay $0x1  }
0x34: {  	s17 =	sshra.s32 s16, $0x2;
	s16 =	sadd.s32 $0x200, s16;
	v1 =	vadd.f32 v2, v1  }
0x35: {  	v2 =	vld [tilespmem:s17+$0x6400]  }
0x36: {  	_ =	sdelay $0x3  }
0x37: {  	v1 =	vadd.f32 v2, v1;
	_ =	sdelay $0x1  }
0x38: {  	v1 =	vmul.f32 $4.999999890e-03, v1;
	_ =	sdelay $0x1  }
0x39: {  	v1 =	vadd.f32 v1, v0;
	_ =	sdelay $0x1  }
0x3a: {  	s17 =	simm.s32 $0x30;
	[tilespmem:$0xC8A0] =	vst v1  }
0x3b: {  	s16 =	simm.s32 $0x2C0;
	v1 =	vimm.f32 $0.0e+00;
	v2 =	vld [tilespmem:s17+$0x6400]  }
.LBB2_8:
0x3c: {  	p0 =	sne.s32 s16, $0x18EC0  }
.Ltmp3:
0x3d: {  	_ = 	snop;
	(pc) =	sbr.rel @p0 .LBB2_8-.Ltmp3, $3  }
0x3e: {  	_ =	sdelay $0x1  }
0x3f: {  	s17 =	sshra.s32 s16, $0x2;
	s16 =	sadd.s32 $0x200, s16;
	v1 =	vadd.f32 v2, v1  }
0x40: {  	v2 =	vld [tilespmem:s17+$0x6400]  }
0x41: {  	_ =	sdelay $0x3  }
0x42: {  	v1 =	vadd.f32 v2, v1;
	_ =	sdelay $0x1  }
0x43: {  	v1 =	vmul.f32 $4.999999890e-03, v1;
	_ =	sdelay $0x1  }
0x44: {  	v1 =	vadd.f32 v1, v0;
	_ =	sdelay $0x1  }
0x45: {  	s17 =	simm.s32 $0x40;
	[tilespmem:$0xC8B0] =	vst v1  }
0x46: {  	s16 =	simm.s32 $0x300;
	v1 =	vimm.f32 $0.0e+00;
	v2 =	vld [tilespmem:s17+$0x6400]  }
.LBB2_10:
0x47: {  	p0 =	sne.s32 s16, $0x18F00  }
.Ltmp4:
0x48: {  	_ = 	snop;
	(pc) =	sbr.rel @p0 .LBB2_10-.Ltmp4, $3  }
0x49: {  	_ =	sdelay $0x1  }
0x4a: {  	s17 =	sshra.s32 s16, $0x2;
	s16 =	sadd.s32 $0x200, s16;
	v1 =	vadd.f32 v2, v1  }
0x4b: {  	v2 =	vld [tilespmem:s17+$0x6400]  }
0x4c: {  	_ =	sdelay $0x3  }
0x4d: {  	v1 =	vadd.f32 v2, v1;
	_ =	sdelay $0x1  }
0x4e: {  	v1 =	vmul.f32 $4.999999890e-03, v1;
	_ =	sdelay $0x1  }
0x4f: {  	v1 =	vadd.f32 v1, v0;
	_ =	sdelay $0x1  }
0x50: {  	s17 =	simm.s32 $0x50;
	[tilespmem:$0xC8C0] =	vst v1  }
0x51: {  	s16 =	simm.s32 $0x340;
	v1 =	vimm.f32 $0.0e+00;
	v2 =	vld [tilespmem:s17+$0x6400]  }
.LBB2_12:
0x52: {  	p0 =	sne.s32 s16, $0x18F40  }
.Ltmp5:
0x53: {  	_ = 	snop;
	(pc) =	sbr.rel @p0 .LBB2_12-.Ltmp5, $3  }
0x54: {  	_ =	sdelay $0x1  }
0x55: {  	s17 =	sshra.s32 s16, $0x2;
	s16 =	sadd.s32 $0x200, s16;
	v1 =	vadd.f32 v2, v1  }
0x56: {  	v2 =	vld [tilespmem:s17+$0x6400]  }
0x57: {  	_ =	sdelay $0x3  }
0x58: {  	v1 =	vadd.f32 v2, v1;
	_ =	sdelay $0x1  }
0x59: {  	v1 =	vmul.f32 $4.999999890e-03, v1;
	_ =	sdelay $0x1  }
0x5a: {  	v1 =	vadd.f32 v1, v0;
	_ =	sdelay $0x1  }
0x5b: {  	s17 =	simm.s32 $0x60;
	[tilespmem:$0xC8D0] =	vst v1  }
0x5c: {  	s16 =	simm.s32 $0x380;
	v1 =	vimm.f32 $0.0e+00;
	v2 =	vld [tilespmem:s17+$0x6400]  }
.LBB2_14:
0x5d: {  	p0 =	sne.s32 s16, $0x18F80  }
.Ltmp6:
0x5e: {  	_ = 	snop;
	(pc) =	sbr.rel @p0 .LBB2_14-.Ltmp6, $3  }
0x5f: {  	_ =	sdelay $0x1  }
0x60: {  	s17 =	sshra.s32 s16, $0x2;
	s16 =	sadd.s32 $0x200, s16;
	v1 =	vadd.f32 v2, v1  }
0x61: {  	v2 =	vld [tilespmem:s17+$0x6400]  }
0x62: {  	_ =	sdelay $0x3  }
0x63: {  	v1 =	vadd.f32 v2, v1;
	_ =	sdelay $0x1  }
0x64: {  	v1 =	vmul.f32 $4.999999890e-03, v1;
	_ =	sdelay $0x1  }
0x65: {  	v1 =	vadd.f32 v1, v0;
	_ =	sdelay $0x1  }
0x66: {  	s17 =	simm.s32 $0x70;
	[tilespmem:$0xC8E0] =	vst v1  }
0x67: {  	s16 =	simm.s32 $0x3C0;
	v1 =	vimm.f32 $0.0e+00;
	v2 =	vld [tilespmem:s17+$0x6400]  }
.LBB2_16:
0x68: {  	p0 =	sne.s32 s16, $0x18FC0  }
.Ltmp7:
0x69: {  	_ = 	snop;
	(pc) =	sbr.rel @p0 .LBB2_16-.Ltmp7, $3  }
0x6a: {  	_ =	sdelay $0x1  }
0x6b: {  	s17 =	sshra.s32 s16, $0x2;
	s16 =	sadd.s32 $0x200, s16;
	v1 =	vadd.f32 v2, v1  }
0x6c: {  	v2 =	vld [tilespmem:s17+$0x6400]  }
0x6d: {  	_ =	sdelay $0x3  }
0x6e: {  	v1 =	vadd.f32 v2, v1;
	_ =	sdelay $0x1  }
0x6f: {  	v1 =	vmul.f32 $4.999999890e-03, v1;
	_ =	sdelay $0x1  }
0x70: {  	s15 =	sadd.s32 $0x1, s15;
	v0 =	vadd.f32 v1, v0  }
0x71: {  	p0 =	sne.s32 s15, s7  }
.Ltmp8:
0x72: {  	[tilespmem:$0xC8F0] =	vst v0;
	(pc) =	sbr.rel @p0 .LBB2_1-.Ltmp8, $4  }
0x73: {  	[hbm4b:s6+s2] =	stream.linear.scatter [tilespmem:s14], [sflag:$0x2], $0x80, $0x38;
	[tilespmem:$0xC900] =	vst v63  }
0x74: {  	_ =	swait.ge [sflag:s10], $0x80  }
0x75: {  	[sflag:s10] =	ssyncset.done $0x0  }
0x76: {  	[sflag:s10] =	ssyncadd.s32 $0xFFFFFF80  }
0x77: {  	_ =	sfence.sel $0x180000  }
0x78: {  	[bflag:$0x0] =	sbarrier.arrive $0xFFFF  }
0x79: {  	p0 =	sne.s32 s0, $0x0;
	_ =	strace $0x90000047  }
0x7a: {  	s0 =	sadd.s32 @!p0 $0x100000, s1;
	[bflag:$0x2] =	sbarrier.arrive $0xFFFF  }
0x7b: {  	[sflag:s0] =	ssyncadd.tile.s32 @!p0 $0x1;
	_ =	shalt  }
.Lfunc_end2:
_tile_overlayer_lowered:
.L_overlay_start_2:
0x7c: {  	(tag) =	ssettag $0x2  }
0x7d: {  	s0 =	rddreg [dreg:$0x0];
	s2 =	stileid.u32  }
0x7e: {  	s1 =	rddreg [dreg:$0x1];
	p0 =	sne.s32 s2, $0x0  }
0x7f: {  	s3 =	rddreg [dreg:$0x2];
	[bflag:$0x3] =	sbarrier.arrive $0xFFFF;
	s2 =	simm.s32 @!p0 $0x1C02  }
0x80: {  	[timem:s3], [sflag:s2] =	dma.local @!p0 [hbm:s0], s1  }
0x81: {  	s0 =	simm.s32 @!p0 $0x2  }
0x82: {  	_ =	swait.ge @!p0 [sflag:s0], s1  }
0x83: {  	s1 =	ssub.s32 @!p0 $0x0, s1;
	[sflag:s0] =	ssyncset.done @!p0 $0x0  }
0x84: {  	[sflag:s0] =	ssyncadd.s32 @!p0 s1  }
0x85: {  	[bflag:$0x3] =	sbarrier.arrive $0xFFFF  }
0x86: {  	_ =	shalt  }

</sc_bundles>
